<compile_context>
chip_gen: v7x
topology: tpu7x:2x2x1
jax: 0.10.2.dev20260603
libtpu: 0.0.44.dev20260713+nightly
codegen_flags: <defaults>
</compile_context>

<pallas_src>
import functools

import jax
import jax.numpy as jnp
from jax import lax
from jax.experimental import pallas as pl
from jax.experimental.pallas import tpu as pltpu
from jax.experimental.pallas import tpu_sc as plsc

D_MODEL = 4096
N_EXPERTS = 64
TOP_K = 8
N_TOKENS = 8192
BT = 512

_SC_INFO = plsc.get_sparse_core_info()
_NC = _SC_INFO.num_cores
_NS = _SC_INFO.num_subcores
_NW = _NC * _NS
_TOK_PER_W = N_TOKENS // _NW


def _gate_body(x_ref, wt_ref, b_ref, g_ref, m_ref, z_ref, m_acc, z_acc):
    i = pl.program_id(0)

    @pl.when(i == 0)
    def _():
        m_acc[...] = jnp.full((1, N_EXPERTS), -jnp.inf, jnp.float32)
        z_acc[...] = jnp.zeros((1, N_EXPERTS), jnp.float32)

    g = jnp.dot(x_ref[...], wt_ref[...], preferred_element_type=jnp.float32)
    g = g + b_ref[...]
    g_ref[...] = g

    m_old = m_acc[...]
    m_new = jnp.maximum(m_old, jnp.max(g, axis=0, keepdims=True))
    z_acc[...] = (z_acc[...] * jnp.exp(m_old - m_new)
                  + jnp.sum(jnp.exp(g - m_new), axis=0, keepdims=True))
    m_acc[...] = m_new

    @pl.when(i == pl.num_programs(0) - 1)
    def _():
        m_ref[...] = m_acc[...]
        z_ref[...] = z_acc[...]


def _gate_logits(x, W, b):
    wt = W.T
    b2 = b.reshape(1, N_EXPERTS)
    grid = N_TOKENS // BT
    return pl.pallas_call(
        _gate_body,
        grid=(grid,),
        in_specs=[
            pl.BlockSpec((BT, D_MODEL), lambda i: (i, 0)),
            pl.BlockSpec((D_MODEL, N_EXPERTS), lambda i: (0, 0)),
            pl.BlockSpec((1, N_EXPERTS), lambda i: (0, 0)),
        ],
        out_specs=[
            pl.BlockSpec((BT, N_EXPERTS), lambda i: (i, 0)),
            pl.BlockSpec((1, N_EXPERTS), lambda i: (0, 0)),
            pl.BlockSpec((1, N_EXPERTS), lambda i: (0, 0)),
        ],
        out_shape=[
            jax.ShapeDtypeStruct((N_TOKENS, N_EXPERTS), jnp.float32),
            jax.ShapeDtypeStruct((1, N_EXPERTS), jnp.float32),
            jax.ShapeDtypeStruct((1, N_EXPERTS), jnp.float32),
        ],
        scratch_shapes=[
            pltpu.VMEM((1, N_EXPERTS), jnp.float32),
            pltpu.VMEM((1, N_EXPERTS), jnp.float32),
        ],
    )(x, wt, b2)


def _merge16(ak, av, bk, bv):
    bk2 = lax.rev(bk, (0,))
    bv2 = lax.rev(bv, (0,))
    c = ak >= bk2
    mk = jnp.where(c, ak, bk2)
    mv = jnp.where(c, av, bv2)
    return plsc.sort_key_val(mk, mv, descending=True)


def _sc_topk_body(g_hbm, m_hbm, z_hbm, out_hbm, g_v, mz_v, out_v):
    wid = lax.axis_index("s") * _NC + lax.axis_index("c")
    base = wid * _TOK_PER_W
    pltpu.sync_copy(m_hbm, mz_v.at[pl.ds(0, N_EXPERTS)])
    pltpu.sync_copy(z_hbm, mz_v.at[pl.ds(N_EXPERTS, N_EXPERTS)])
    pltpu.sync_copy(g_hbm.at[pl.ds(base * N_EXPERTS, _TOK_PER_W * N_EXPERTS)],
                    g_v)
    lane = lax.iota(jnp.int32, 16)
    ids = [lane + (16 * j) for j in range(4)]
    ms = [mz_v[pl.ds(16 * j, 16)] for j in range(4)]
    zs = [mz_v[pl.ds(N_EXPERTS + 16 * j, 16)] for j in range(4)]

    def one_token(t):
        off = t * N_EXPERTS
        srt = []
        for j in range(4):
            s = jnp.exp(g_v[pl.ds(off + 16 * j, 16)] - ms[j]) / zs[j]
            srt.append(plsc.sort_key_val(s, ids[j], descending=True))
        m01 = _merge16(srt[0][0], srt[0][1], srt[1][0], srt[1][1])
        m23 = _merge16(srt[2][0], srt[2][1], srt[3][0], srt[3][1])
        _, fv = _merge16(m01[0], m01[1], m23[0], m23[1])
        out_v[pl.ds(t * TOP_K, 16)] = fv

    def body(t2, carry):
        one_token(2 * t2)
        one_token(2 * t2 + 1)
        return carry

    lax.fori_loop(0, _TOK_PER_W // 2, body, 0)
    pltpu.sync_copy(out_v.at[pl.ds(0, _TOK_PER_W * TOP_K)],
                    out_hbm.at[pl.ds(base * TOP_K, _TOK_PER_W * TOP_K)])


_sc_topk = functools.partial(
    pl.kernel,
    out_type=jax.ShapeDtypeStruct((N_TOKENS * TOP_K,), jnp.int32),
    mesh=plsc.VectorSubcoreMesh(core_axis_name="c", subcore_axis_name="s"),
    compiler_params=pltpu.CompilerParams(needs_layout_passes=False),
    scratch_types=[
        pltpu.VMEM((_TOK_PER_W * N_EXPERTS,), jnp.float32),
        pltpu.VMEM((2 * N_EXPERTS,), jnp.float32),
        pltpu.VMEM((_TOK_PER_W * TOP_K + 16,), jnp.int32),
    ],
)(_sc_topk_body)


def kernel(x, W, b):
    g, m, z = _gate_logits(x, W, b)
    idx_flat = _sc_topk(g.reshape(-1), m.reshape(-1), z.reshape(-1))
    return idx_flat.reshape(N_TOKENS, TOP_K)

# --- scband reference (transcript-rebuilt; emitter-appended) ---
"""Pipeline reference for scband-sparse-gate-12154757448314 (READ-ONLY COPY).

The authoritative reference and input builder live on the scoring server;
editing this copy changes nothing except your own understanding.
"""

import jax, jax.numpy as jnp
import numpy as np

D_MODEL = 4096
N_EXPERTS = 64
TOP_K = 8
N_TOKENS = 8192


def setup_inputs(seed: int = 0) -> dict:
    key = jax.random.key(seed)
    k1, k2, k3 = jax.random.split(key, 3)
    x = jax.random.normal(k1, (N_TOKENS, D_MODEL), dtype=jnp.float32)
    # nn.Linear(d_model, n_experts): weight [n_experts, d_model], bias [n_experts]
    bound = 1.0 / np.sqrt(D_MODEL)
    W = jax.random.uniform(k2, (N_EXPERTS, D_MODEL), dtype=jnp.float32, minval=-bound, maxval=bound)
    b = jax.random.uniform(k3, (N_EXPERTS,), dtype=jnp.float32, minval=-bound, maxval=bound)
    return {"x": x, "W": W, "b": b}


def reference(x, W, b):
    # gated_values = self.gate(x)
    gated = x @ W.T + b
    # self.softmax = nn.Softmax(0) -> softmax over dim 0 (the token dim), as in the original module
    gated = jax.nn.softmax(gated, axis=0)
    # _, indices = torch.topk(gated_values, self.k, dim=-1)
    _, indices = jax.lax.top_k(gated, TOP_K)
    return indices

if __name__ == "__main__":
    import jax
    _d = setup_inputs()
    print(jax.jit(kernel)(*tuple(_d.values())))

</pallas_src>

<mosaic_0001>
#map = affine_map<(d0, d1) -> (0)>
module attributes {stable_mosaic.version = 14 : i64} {
  func.func @_sc_topk_body(%arg0: i32, %arg1: i32, %arg2: memref<524288xf32, #tpu.memory_space<hbm>>, %arg3: memref<64xf32, #tpu.memory_space<hbm>>, %arg4: memref<64xf32, #tpu.memory_space<hbm>>, %arg5: memref<65536xi32, #tpu.memory_space<hbm>>, %arg6: memref<16384xf32, #tpu.memory_space<vmem>>, %arg7: memref<128xf32, #tpu.memory_space<vmem>>, %arg8: memref<2064xi32, #tpu.memory_space<vmem>>) attributes {dimension_semantics = [#tpu.dimension_semantics<core_parallel>, #tpu.dimension_semantics<subcore_parallel>], iteration_bounds = array<i64: 2, 16>, scalar_prefetch = 0 : i64, scratch_operands = 3 : i64, tpu.core_type = #tpu.core_type<sc_vector_subcore>, window_params = [{transform_indices = #map}, {transform_indices = #map}, {transform_indices = #map}, {transform_indices = #map}]} {
    %mul3A = arith.constant 2 : i32
    %mul3A_0 = arith.muli %arg1, %mul3A : i32
    %add3A = arith.addi %mul3A_0, %arg0 : i32
    %mul3A_1 = arith.constant 256 : i32
    %mul3A_2 = arith.muli %add3A, %mul3A_1 : i32
    "tpu.region"() ({
      %run_scoped3A = tpu.sem_alloc : memref<!tpu.dma_semaphore, #tpu.memory_space<semaphore_mem>>
      %dma_start3A = arith.constant 0 : i32
      %dma_start3A_39 = tpu.memref_slice %arg7[%dma_start3A] : memref<128xf32, #tpu.memory_space<vmem>> -> memref<64xf32, #tpu.memory_space<vmem>>
      %dma_start3A_40 = arith.constant 0 : i32
      %dma_start3A_41 = tpu.memref_slice %arg7[%dma_start3A_40] : memref<128xf32, #tpu.memory_space<vmem>> -> memref<64xf32, #tpu.memory_space<vmem>>
      tpu.enqueue_dma source(%arg3 : memref<64xf32, #tpu.memory_space<hbm>>) target(%dma_start3A_41 : memref<64xf32, #tpu.memory_space<vmem>>) target_semaphore(%run_scoped3A : memref<!tpu.dma_semaphore, #tpu.memory_space<semaphore_mem>>)
      %dma_wait3A = arith.constant 0 : i32
      %dma_wait3A_42 = tpu.memref_slice %arg7[%dma_wait3A] : memref<128xf32, #tpu.memory_space<vmem>> -> memref<64xf32, #tpu.memory_space<vmem>>
      %dma_wait3A_43 = arith.constant 0 : i32
      %dma_wait3A_44 = tpu.memref_slice %arg7[%dma_wait3A_43] : memref<128xf32, #tpu.memory_space<vmem>> -> memref<64xf32, #tpu.memory_space<vmem>>
      tpu.wait_dma2 semaphore(%run_scoped3A : memref<!tpu.dma_semaphore, #tpu.memory_space<semaphore_mem>>) src(%arg3 : memref<64xf32, #tpu.memory_space<hbm>>) dst(%dma_wait3A_44 : memref<64xf32, #tpu.memory_space<vmem>>)
      tpu.yield
    }) : () -> ()
    "tpu.region"() ({
      %run_scoped3A = tpu.sem_alloc : memref<!tpu.dma_semaphore, #tpu.memory_space<semaphore_mem>>
      %dma_start3A = arith.constant 64 : i32
      %dma_start3A_39 = tpu.memref_slice %arg7[%dma_start3A] : memref<128xf32, #tpu.memory_space<vmem>> -> memref<64xf32, #tpu.memory_space<vmem>>
      %dma_start3A_40 = arith.constant 64 : i32
      %dma_start3A_41 = tpu.memref_slice %arg7[%dma_start3A_40] : memref<128xf32, #tpu.memory_space<vmem>> -> memref<64xf32, #tpu.memory_space<vmem>>
      tpu.enqueue_dma source(%arg4 : memref<64xf32, #tpu.memory_space<hbm>>) target(%dma_start3A_41 : memref<64xf32, #tpu.memory_space<vmem>>) target_semaphore(%run_scoped3A : memref<!tpu.dma_semaphore, #tpu.memory_space<semaphore_mem>>)
      %dma_wait3A = arith.constant 64 : i32
      %dma_wait3A_42 = tpu.memref_slice %arg7[%dma_wait3A] : memref<128xf32, #tpu.memory_space<vmem>> -> memref<64xf32, #tpu.memory_space<vmem>>
      %dma_wait3A_43 = arith.constant 64 : i32
      %dma_wait3A_44 = tpu.memref_slice %arg7[%dma_wait3A_43] : memref<128xf32, #tpu.memory_space<vmem>> -> memref<64xf32, #tpu.memory_space<vmem>>
      tpu.wait_dma2 semaphore(%run_scoped3A : memref<!tpu.dma_semaphore, #tpu.memory_space<semaphore_mem>>) src(%arg4 : memref<64xf32, #tpu.memory_space<hbm>>) dst(%dma_wait3A_44 : memref<64xf32, #tpu.memory_space<vmem>>)
      tpu.yield
    }) : () -> ()
    %mul3A_3 = arith.constant 64 : i32
    %mul3A_4 = arith.muli %mul3A_2, %mul3A_3 : i32
    "tpu.region"() ({
      %run_scoped3A = tpu.sem_alloc : memref<!tpu.dma_semaphore, #tpu.memory_space<semaphore_mem>>
      %dma_start3A = tpu.memref_slice %arg2[%mul3A_4] : memref<524288xf32, #tpu.memory_space<hbm>> -> memref<16384xf32, #tpu.memory_space<hbm>>
      %dma_start3A_39 = tpu.memref_slice %arg2[%mul3A_4] : memref<524288xf32, #tpu.memory_space<hbm>> -> memref<16384xf32, #tpu.memory_space<hbm>>
      tpu.enqueue_dma source(%dma_start3A_39 : memref<16384xf32, #tpu.memory_space<hbm>>) target(%arg6 : memref<16384xf32, #tpu.memory_space<vmem>>) target_semaphore(%run_scoped3A : memref<!tpu.dma_semaphore, #tpu.memory_space<semaphore_mem>>)
      %dma_wait3A = tpu.memref_slice %arg2[%mul3A_4] : memref<524288xf32, #tpu.memory_space<hbm>> -> memref<16384xf32, #tpu.memory_space<hbm>>
      %dma_wait3A_40 = tpu.memref_slice %arg2[%mul3A_4] : memref<524288xf32, #tpu.memory_space<hbm>> -> memref<16384xf32, #tpu.memory_space<hbm>>
      tpu.wait_dma2 semaphore(%run_scoped3A : memref<!tpu.dma_semaphore, #tpu.memory_space<semaphore_mem>>) src(%dma_wait3A_40 : memref<16384xf32, #tpu.memory_space<hbm>>) dst(%arg6 : memref<16384xf32, #tpu.memory_space<vmem>>)
      tpu.yield
    }) : () -> ()
    %iota3A = tpu.iota {dimensions = array<i32: 0>} : vector<16xi32>
    %add3A_5 = arith.constant 0 : i32
    %add3A_6 = vector.broadcast %add3A_5 : i32 to vector<16xi32>
    %add3A_7 = arith.addi %iota3A, %add3A_6 : vector<16xi32>
    %add3A_8 = arith.constant 16 : i32
    %add3A_9 = vector.broadcast %add3A_8 : i32 to vector<16xi32>
    %add3A_10 = arith.addi %iota3A, %add3A_9 : vector<16xi32>
    %add3A_11 = arith.constant 32 : i32
    %add3A_12 = vector.broadcast %add3A_11 : i32 to vector<16xi32>
    %add3A_13 = arith.addi %iota3A, %add3A_12 : vector<16xi32>
    %add3A_14 = arith.constant 48 : i32
    %add3A_15 = vector.broadcast %add3A_14 : i32 to vector<16xi32>
    %add3A_16 = arith.addi %iota3A, %add3A_15 : vector<16xi32>
    %get3A = arith.constant 0 : index
    %get3A_17 = tpu.vector_load %arg7[%get3A] {strides = array<i32>} : memref<128xf32, #tpu.memory_space<vmem>>, vector<16xf32>,
    %get3A_18 = arith.constant 16 : index
    %get3A_19 = tpu.vector_load %arg7[%get3A_18] {strides = array<i32>} : memref<128xf32, #tpu.memory_space<vmem>>, vector<16xf32>,
    %get3A_20 = arith.constant 32 : index
    %get3A_21 = tpu.vector_load %arg7[%get3A_20] {strides = array<i32>} : memref<128xf32, #tpu.memory_space<vmem>>, vector<16xf32>,
    %get3A_22 = arith.constant 48 : index
    %get3A_23 = tpu.vector_load %arg7[%get3A_22] {strides = array<i32>} : memref<128xf32, #tpu.memory_space<vmem>>, vector<16xf32>,
    %get3A_24 = arith.constant 64 : index
    %get3A_25 = tpu.vector_load %arg7[%get3A_24] {strides = array<i32>} : memref<128xf32, #tpu.memory_space<vmem>>, vector<16xf32>,
    %get3A_26 = arith.constant 80 : index
    %get3A_27 = tpu.vector_load %arg7[%get3A_26] {strides = array<i32>} : memref<128xf32, #tpu.memory_space<vmem>>, vector<16xf32>,
    %get3A_28 = arith.constant 96 : index
    %get3A_29 = tpu.vector_load %arg7[%get3A_28] {strides = array<i32>} : memref<128xf32, #tpu.memory_space<vmem>>, vector<16xf32>,
    %get3A_30 = arith.constant 112 : index
    %get3A_31 = tpu.vector_load %arg7[%get3A_30] {strides = array<i32>} : memref<128xf32, #tpu.memory_space<vmem>>, vector<16xf32>,
    %scan3A = arith.constant 0 : i32
    %scan3A_32 = arith.constant 0 : i32
    %scan3A_33 = arith.constant 128 : i32
    %scan3A_34 = arith.addi %scan3A_32, %scan3A_33 : i32
    %scan3A_35 = arith.constant 1 : i32
    scf.for %scan3A_39 = %scan3A_32 to %scan3A_34 step %scan3A_35  : i32 {
      %mul3A_40 = arith.constant 2 : i32
      %mul3A_41 = arith.muli %mul3A_40, %scan3A_39 : i32
      %mul3A_42 = arith.constant 64 : i32
      %mul3A_43 = arith.muli %mul3A_41, %mul3A_42 : i32
      %add3A_44 = arith.constant 0 : i32
      %add3A_45 = arith.addi %mul3A_43, %add3A_44 : i32
      %get3A_46 = arith.index_cast %add3A_45 : i32 to index
      %get3A_47 = tpu.vector_load %arg6[%get3A_46] {strides = array<i32>} : memref<16384xf32, #tpu.memory_space<vmem>>, vector<16xf32>,
      %sub3A = arith.subf %get3A_47, %get3A_17 : vector<16xf32>
      %exp3A = math.exp %sub3A : vector<16xf32>
      %div3A = arith.divf %exp3A, %get3A_25 : vector<16xf32>
      %masked_sort3A = arith.constant dense<true> : vector<16xi1>
      %masked_sort3A_48, %masked_sort3A_49, %masked_sort3A_50 = tpu.sort %div3A, %add3A_7 masked %masked_sort3A {descending = true} : (vector<16xf32>, vector<16xi32>, vector<16xi1>) -> (vector<16xi1>, vector<16xf32>, vector<16xi32>)
      %add3A_51 = arith.constant 16 : i32
      %add3A_52 = arith.addi %mul3A_43, %add3A_51 : i32
      %get3A_53 = arith.index_cast %add3A_52 : i32 to index
      %get3A_54 = tpu.vector_load %arg6[%get3A_53] {strides = array<i32>} : memref<16384xf32, #tpu.memory_space<vmem>>, vector<16xf32>,
      %sub3A_55 = arith.subf %get3A_54, %get3A_19 : vector<16xf32>
      %exp3A_56 = math.exp %sub3A_55 : vector<16xf32>
      %div3A_57 = arith.divf %exp3A_56, %get3A_27 : vector<16xf32>
      %masked_sort3A_58 = arith.constant dense<true> : vector<16xi1>
      %masked_sort3A_59, %masked_sort3A_60, %masked_sort3A_61 = tpu.sort %div3A_57, %add3A_10 masked %masked_sort3A_58 {descending = true} : (vector<16xf32>, vector<16xi32>, vector<16xi1>) -> (vector<16xi1>, vector<16xf32>, vector<16xi32>)
      %add3A_62 = arith.constant 32 : i32
      %add3A_63 = arith.addi %mul3A_43, %add3A_62 : i32
      %get3A_64 = arith.index_cast %add3A_63 : i32 to index
      %get3A_65 = tpu.vector_load %arg6[%get3A_64] {strides = array<i32>} : memref<16384xf32, #tpu.memory_space<vmem>>, vector<16xf32>,
      %sub3A_66 = arith.subf %get3A_65, %get3A_21 : vector<16xf32>
      %exp3A_67 = math.exp %sub3A_66 : vector<16xf32>
      %div3A_68 = arith.divf %exp3A_67, %get3A_29 : vector<16xf32>
      %masked_sort3A_69 = arith.constant dense<true> : vector<16xi1>
      %masked_sort3A_70, %masked_sort3A_71, %masked_sort3A_72 = tpu.sort %div3A_68, %add3A_13 masked %masked_sort3A_69 {descending = true} : (vector<16xf32>, vector<16xi32>, vector<16xi1>) -> (vector<16xi1>, vector<16xf32>, vector<16xi32>)
      %add3A_73 = arith.constant 48 : i32
      %add3A_74 = arith.addi %mul3A_43, %add3A_73 : i32
      %get3A_75 = arith.index_cast %add3A_74 : i32 to index
      %get3A_76 = tpu.vector_load %arg6[%get3A_75] {strides = array<i32>} : memref<16384xf32, #tpu.memory_space<vmem>>, vector<16xf32>,
      %sub3A_77 = arith.subf %get3A_76, %get3A_23 : vector<16xf32>
      %exp3A_78 = math.exp %sub3A_77 : vector<16xf32>
      %div3A_79 = arith.divf %exp3A_78, %get3A_31 : vector<16xf32>
      %masked_sort3A_80 = arith.constant dense<true> : vector<16xi1>
      %masked_sort3A_81, %masked_sort3A_82, %masked_sort3A_83 = tpu.sort %div3A_79, %add3A_16 masked %masked_sort3A_80 {descending = true} : (vector<16xf32>, vector<16xi32>, vector<16xi1>) -> (vector<16xi1>, vector<16xf32>, vector<16xi32>)
      %rev3A = arith.constant 15 : i32
      %rev3A_84 = vector.broadcast %rev3A : i32 to vector<16xi32>
      %rev3A_85 = tpu.iota {dimensions = array<i32: 0>} : vector<16xi32>
      %rev3A_86 = arith.subi %rev3A_84, %rev3A_85 : vector<16xi32>
      %rev3A_87 = tpu.dynamic_gather %masked_sort3A_60[%rev3A_86] in [0] : vector<16xf32>, vector<16xi32> -> vector<16xf32>
      %rev3A_88 = arith.constant 15 : i32
      %rev3A_89 = vector.broadcast %rev3A_88 : i32 to vector<16xi32>
      %rev3A_90 = tpu.iota {dimensions = array<i32: 0>} : vector<16xi32>
      %rev3A_91 = arith.subi %rev3A_89, %rev3A_90 : vector<16xi32>
      %rev3A_92 = tpu.dynamic_gather %masked_sort3A_61[%rev3A_91] in [0] : vector<16xi32>, vector<16xi32> -> vector<16xi32>
      %ge3A = arith.cmpf oge, %masked_sort3A_49, %rev3A_87 : vector<16xf32>
      %select_n3A = arith.select %ge3A, %masked_sort3A_49, %rev3A_87 : vector<16xi1>, vector<16xf32>
      %select_n3A_93 = arith.select %ge3A, %masked_sort3A_50, %rev3A_92 : vector<16xi1>, vector<16xi32>
      %masked_sort3A_94 = arith.constant dense<true> : vector<16xi1>
      %masked_sort3A_95, %masked_sort3A_96, %masked_sort3A_97 = tpu.sort %select_n3A, %select_n3A_93 masked %masked_sort3A_94 {descending = true} : (vector<16xf32>, vector<16xi32>, vector<16xi1>) -> (vector<16xi1>, vector<16xf32>, vector<16xi32>)
      %rev3A_98 = arith.constant 15 : i32
      %rev3A_99 = vector.broadcast %rev3A_98 : i32 to vector<16xi32>
      %rev3A_100 = tpu.iota {dimensions = array<i32: 0>} : vector<16xi32>
      %rev3A_101 = arith.subi %rev3A_99, %rev3A_100 : vector<16xi32>
      %rev3A_102 = tpu.dynamic_gather %masked_sort3A_82[%rev3A_101] in [0] : vector<16xf32>, vector<16xi32> -> vector<16xf32>
      %rev3A_103 = arith.constant 15 : i32
      %rev3A_104 = vector.broadcast %rev3A_103 : i32 to vector<16xi32>
      %rev3A_105 = tpu.iota {dimensions = array<i32: 0>} : vector<16xi32>
      %rev3A_106 = arith.subi %rev3A_104, %rev3A_105 : vector<16xi32>
      %rev3A_107 = tpu.dynamic_gather %masked_sort3A_83[%rev3A_106] in [0] : vector<16xi32>, vector<16xi32> -> vector<16xi32>
      %ge3A_108 = arith.cmpf oge, %masked_sort3A_71, %rev3A_102 : vector<16xf32>
      %select_n3A_109 = arith.select %ge3A_108, %masked_sort3A_71, %rev3A_102 : vector<16xi1>, vector<16xf32>
      %select_n3A_110 = arith.select %ge3A_108, %masked_sort3A_72, %rev3A_107 : vector<16xi1>, vector<16xi32>
      %masked_sort3A_111 = arith.constant dense<true> : vector<16xi1>
      %masked_sort3A_112, %masked_sort3A_113, %masked_sort3A_114 = tpu.sort %select_n3A_109, %select_n3A_110 masked %masked_sort3A_111 {descending = true} : (vector<16xf32>, vector<16xi32>, vector<16xi1>) -> (vector<16xi1>, vector<16xf32>, vector<16xi32>)
      %rev3A_115 = arith.constant 15 : i32
      %rev3A_116 = vector.broadcast %rev3A_115 : i32 to vector<16xi32>
      %rev3A_117 = tpu.iota {dimensions = array<i32: 0>} : vector<16xi32>
      %rev3A_118 = arith.subi %rev3A_116, %rev3A_117 : vector<16xi32>
      %rev3A_119 = tpu.dynamic_gather %masked_sort3A_113[%rev3A_118] in [0] : vector<16xf32>, vector<16xi32> -> vector<16xf32>
      %rev3A_120 = arith.constant 15 : i32
      %rev3A_121 = vector.broadcast %rev3A_120 : i32 to vector<16xi32>
      %rev3A_122 = tpu.iota {dimensions = array<i32: 0>} : vector<16xi32>
      %rev3A_123 = arith.subi %rev3A_121, %rev3A_122 : vector<16xi32>
      %rev3A_124 = tpu.dynamic_gather %masked_sort3A_114[%rev3A_123] in [0] : vector<16xi32>, vector<16xi32> -> vector<16xi32>
      %ge3A_125 = arith.cmpf oge, %masked_sort3A_96, %rev3A_119 : vector<16xf32>
      %select_n3A_126 = arith.select %ge3A_125, %masked_sort3A_96, %rev3A_119 : vector<16xi1>, vector<16xf32>
      %select_n3A_127 = arith.select %ge3A_125, %masked_sort3A_97, %rev3A_124 : vector<16xi1>, vector<16xi32>
      %masked_sort3A_128 = arith.constant dense<true> : vector<16xi1>
      %masked_sort3A_129, %masked_sort3A_130, %masked_sort3A_131 = tpu.sort %select_n3A_126, %select_n3A_127 masked %masked_sort3A_128 {descending = true} : (vector<16xf32>, vector<16xi32>, vector<16xi1>) -> (vector<16xi1>, vector<16xf32>, vector<16xi32>)
      %mul3A_132 = arith.constant 8 : i32
      %mul3A_133 = arith.muli %mul3A_41, %mul3A_132 : i32
      %swap3A = arith.index_cast %mul3A_133 : i32 to index
      %swap3A_134 = tpu.vector_load %arg8[%swap3A] {strides = array<i32>} : memref<2064xi32, #tpu.memory_space<vmem>>, vector<16xi32>,
      tpu.vector_store %arg8[%swap3A], %masked_sort3A_131 {strides = array<i32>} : memref<2064xi32, #tpu.memory_space<vmem>>, vector<16xi32>,
      %mul3A_135 = arith.constant 2 : i32
      %mul3A_136 = arith.muli %mul3A_135, %scan3A_39 : i32
      %add3A_137 = arith.constant 1 : i32
      %add3A_138 = arith.addi %mul3A_136, %add3A_137 : i32
      %mul3A_139 = arith.constant 64 : i32
      %mul3A_140 = arith.muli %add3A_138, %mul3A_139 : i32
      %add3A_141 = arith.constant 0 : i32
      %add3A_142 = arith.addi %mul3A_140, %add3A_141 : i32
      %get3A_143 = arith.index_cast %add3A_142 : i32 to index
      %get3A_144 = tpu.vector_load %arg6[%get3A_143] {strides = array<i32>} : memref<16384xf32, #tpu.memory_space<vmem>>, vector<16xf32>,
      %sub3A_145 = arith.subf %get3A_144, %get3A_17 : vector<16xf32>
      %exp3A_146 = math.exp %sub3A_145 : vector<16xf32>
      %div3A_147 = arith.divf %exp3A_146, %get3A_25 : vector<16xf32>
      %masked_sort3A_148 = arith.constant dense<true> : vector<16xi1>
      %masked_sort3A_149, %masked_sort3A_150, %masked_sort3A_151 = tpu.sort %div3A_147, %add3A_7 masked %masked_sort3A_148 {descending = true} : (vector<16xf32>, vector<16xi32>, vector<16xi1>) -> (vector<16xi1>, vector<16xf32>, vector<16xi32>)
      %add3A_152 = arith.constant 16 : i32
      %add3A_153 = arith.addi %mul3A_140, %add3A_152 : i32
      %get3A_154 = arith.index_cast %add3A_153 : i32 to index
      %get3A_155 = tpu.vector_load %arg6[%get3A_154] {strides = array<i32>} : memref<16384xf32, #tpu.memory_space<vmem>>, vector<16xf32>,
      %sub3A_156 = arith.subf %get3A_155, %get3A_19 : vector<16xf32>
      %exp3A_157 = math.exp %sub3A_156 : vector<16xf32>
      %div3A_158 = arith.divf %exp3A_157, %get3A_27 : vector<16xf32>
      %masked_sort3A_159 = arith.constant dense<true> : vector<16xi1>
      %masked_sort3A_160, %masked_sort3A_161, %masked_sort3A_162 = tpu.sort %div3A_158, %add3A_10 masked %masked_sort3A_159 {descending = true} : (vector<16xf32>, vector<16xi32>, vector<16xi1>) -> (vector<16xi1>, vector<16xf32>, vector<16xi32>)
      %add3A_163 = arith.constant 32 : i32
      %add3A_164 = arith.addi %mul3A_140, %add3A_163 : i32
      %get3A_165 = arith.index_cast %add3A_164 : i32 to index
      %get3A_166 = tpu.vector_load %arg6[%get3A_165] {strides = array<i32>} : memref<16384xf32, #tpu.memory_space<vmem>>, vector<16xf32>,
      %sub3A_167 = arith.subf %get3A_166, %get3A_21 : vector<16xf32>
      %exp3A_168 = math.exp %sub3A_167 : vector<16xf32>
      %div3A_169 = arith.divf %exp3A_168, %get3A_29 : vector<16xf32>
      %masked_sort3A_170 = arith.constant dense<true> : vector<16xi1>
      %masked_sort3A_171, %masked_sort3A_172, %masked_sort3A_173 = tpu.sort %div3A_169, %add3A_13 masked %masked_sort3A_170 {descending = true} : (vector<16xf32>, vector<16xi32>, vector<16xi1>) -> (vector<16xi1>, vector<16xf32>, vector<16xi32>)
      %add3A_174 = arith.constant 48 : i32
      %add3A_175 = arith.addi %mul3A_140, %add3A_174 : i32
      %get3A_176 = arith.index_cast %add3A_175 : i32 to index
      %get3A_177 = tpu.vector_load %arg6[%get3A_176] {strides = array<i32>} : memref<16384xf32, #tpu.memory_space<vmem>>, vector<16xf32>,
      %sub3A_178 = arith.subf %get3A_177, %get3A_23 : vector<16xf32>
      %exp3A_179 = math.exp %sub3A_178 : vector<16xf32>
      %div3A_180 = arith.divf %exp3A_179, %get3A_31 : vector<16xf32>
      %masked_sort3A_181 = arith.constant dense<true> : vector<16xi1>
      %masked_sort3A_182, %masked_sort3A_183, %masked_sort3A_184 = tpu.sort %div3A_180, %add3A_16 masked %masked_sort3A_181 {descending = true} : (vector<16xf32>, vector<16xi32>, vector<16xi1>) -> (vector<16xi1>, vector<16xf32>, vector<16xi32>)
      %rev3A_185 = arith.constant 15 : i32
      %rev3A_186 = vector.broadcast %rev3A_185 : i32 to vector<16xi32>
      %rev3A_187 = tpu.iota {dimensions = array<i32: 0>} : vector<16xi32>
      %rev3A_188 = arith.subi %rev3A_186, %rev3A_187 : vector<16xi32>
      %rev3A_189 = tpu.dynamic_gather %masked_sort3A_161[%rev3A_188] in [0] : vector<16xf32>, vector<16xi32> -> vector<16xf32>
      %rev3A_190 = arith.constant 15 : i32
      %rev3A_191 = vector.broadcast %rev3A_190 : i32 to vector<16xi32>
      %rev3A_192 = tpu.iota {dimensions = array<i32: 0>} : vector<16xi32>
      %rev3A_193 = arith.subi %rev3A_191, %rev3A_192 : vector<16xi32>
      %rev3A_194 = tpu.dynamic_gather %masked_sort3A_162[%rev3A_193] in [0] : vector<16xi32>, vector<16xi32> -> vector<16xi32>
      %ge3A_195 = arith.cmpf oge, %masked_sort3A_150, %rev3A_189 : vector<16xf32>
      %select_n3A_196 = arith.select %ge3A_195, %masked_sort3A_150, %rev3A_189 : vector<16xi1>, vector<16xf32>
      %select_n3A_197 = arith.select %ge3A_195, %masked_sort3A_151, %rev3A_194 : vector<16xi1>, vector<16xi32>
      %masked_sort3A_198 = arith.constant dense<true> : vector<16xi1>
      %masked_sort3A_199, %masked_sort3A_200, %masked_sort3A_201 = tpu.sort %select_n3A_196, %select_n3A_197 masked %masked_sort3A_198 {descending = true} : (vector<16xf32>, vector<16xi32>, vector<16xi1>) -> (vector<16xi1>, vector<16xf32>, vector<16xi32>)
      %rev3A_202 = arith.constant 15 : i32
      %rev3A_203 = vector.broadcast %rev3A_202 : i32 to vector<16xi32>
      %rev3A_204 = tpu.iota {dimensions = array<i32: 0>} : vector<16xi32>
      %rev3A_205 = arith.subi %rev3A_203, %rev3A_204 : vector<16xi32>
      %rev3A_206 = tpu.dynamic_gather %masked_sort3A_183[%rev3A_205] in [0] : vector<16xf32>, vector<16xi32> -> vector<16xf32>
      %rev3A_207 = arith.constant 15 : i32
      %rev3A_208 = vector.broadcast %rev3A_207 : i32 to vector<16xi32>
      %rev3A_209 = tpu.iota {dimensions = array<i32: 0>} : vector<16xi32>
      %rev3A_210 = arith.subi %rev3A_208, %rev3A_209 : vector<16xi32>
      %rev3A_211 = tpu.dynamic_gather %masked_sort3A_184[%rev3A_210] in [0] : vector<16xi32>, vector<16xi32> -> vector<16xi32>
      %ge3A_212 = arith.cmpf oge, %masked_sort3A_172, %rev3A_206 : vector<16xf32>
      %select_n3A_213 = arith.select %ge3A_212, %masked_sort3A_172, %rev3A_206 : vector<16xi1>, vector<16xf32>
      %select_n3A_214 = arith.select %ge3A_212, %masked_sort3A_173, %rev3A_211 : vector<16xi1>, vector<16xi32>
      %masked_sort3A_215 = arith.constant dense<true> : vector<16xi1>
      %masked_sort3A_216, %masked_sort3A_217, %masked_sort3A_218 = tpu.sort %select_n3A_213, %select_n3A_214 masked %masked_sort3A_215 {descending = true} : (vector<16xf32>, vector<16xi32>, vector<16xi1>) -> (vector<16xi1>, vector<16xf32>, vector<16xi32>)
      %rev3A_219 = arith.constant 15 : i32
      %rev3A_220 = vector.broadcast %rev3A_219 : i32 to vector<16xi32>
      %rev3A_221 = tpu.iota {dimensions = array<i32: 0>} : vector<16xi32>
      %rev3A_222 = arith.subi %rev3A_220, %rev3A_221 : vector<16xi32>
      %rev3A_223 = tpu.dynamic_gather %masked_sort3A_217[%rev3A_222] in [0] : vector<16xf32>, vector<16xi32> -> vector<16xf32>
      %rev3A_224 = arith.constant 15 : i32
      %rev3A_225 = vector.broadcast %rev3A_224 : i32 to vector<16xi32>
      %rev3A_226 = tpu.iota {dimensions = array<i32: 0>} : vector<16xi32>
      %rev3A_227 = arith.subi %rev3A_225, %rev3A_226 : vector<16xi32>
      %rev3A_228 = tpu.dynamic_gather %masked_sort3A_218[%rev3A_227] in [0] : vector<16xi32>, vector<16xi32> -> vector<16xi32>
      %ge3A_229 = arith.cmpf oge, %masked_sort3A_200, %rev3A_223 : vector<16xf32>
      %select_n3A_230 = arith.select %ge3A_229, %masked_sort3A_200, %rev3A_223 : vector<16xi1>, vector<16xf32>
      %select_n3A_231 = arith.select %ge3A_229, %masked_sort3A_201, %rev3A_228 : vector<16xi1>, vector<16xi32>
      %masked_sort3A_232 = arith.constant dense<true> : vector<16xi1>
      %masked_sort3A_233, %masked_sort3A_234, %masked_sort3A_235 = tpu.sort %select_n3A_230, %select_n3A_231 masked %masked_sort3A_232 {descending = true} : (vector<16xf32>, vector<16xi32>, vector<16xi1>) -> (vector<16xi1>, vector<16xf32>, vector<16xi32>)
      %mul3A_236 = arith.constant 8 : i32
      %mul3A_237 = arith.muli %add3A_138, %mul3A_236 : i32
      %swap3A_238 = arith.index_cast %mul3A_237 : i32 to index
      %swap3A_239 = tpu.vector_load %arg8[%swap3A_238] {strides = array<i32>} : memref<2064xi32, #tpu.memory_space<vmem>>, vector<16xi32>,
      tpu.vector_store %arg8[%swap3A_238], %masked_sort3A_235 {strides = array<i32>} : memref<2064xi32, #tpu.memory_space<vmem>>, vector<16xi32>,
    }
    %scan3A_36 = arith.constant 128 : i32
    %mul3A_37 = arith.constant 8 : i32
    %mul3A_38 = arith.muli %mul3A_2, %mul3A_37 : i32
    "tpu.region"() ({
      %run_scoped3A = tpu.sem_alloc : memref<!tpu.dma_semaphore, #tpu.memory_space<semaphore_mem>>
      %dma_start3A = arith.constant 0 : i32
      %dma_start3A_39 = tpu.memref_slice %arg8[%dma_start3A] : memref<2064xi32, #tpu.memory_space<vmem>> -> memref<2048xi32, #tpu.memory_space<vmem>>
      %dma_start3A_40 = tpu.memref_slice %arg5[%mul3A_38] : memref<65536xi32, #tpu.memory_space<hbm>> -> memref<2048xi32, #tpu.memory_space<hbm>>
      %dma_start3A_41 = tpu.memref_slice %arg5[%mul3A_38] : memref<65536xi32, #tpu.memory_space<hbm>> -> memref<2048xi32, #tpu.memory_space<hbm>>
      %dma_start3A_42 = arith.constant 0 : i32
      %dma_start3A_43 = tpu.memref_slice %arg8[%dma_start3A_42] : memref<2064xi32, #tpu.memory_space<vmem>> -> memref<2048xi32, #tpu.memory_space<vmem>>
      tpu.enqueue_dma source(%dma_start3A_43 : memref<2048xi32, #tpu.memory_space<vmem>>) target(%dma_start3A_41 : memref<2048xi32, #tpu.memory_space<hbm>>) target_semaphore(%run_scoped3A : memref<!tpu.dma_semaphore, #tpu.memory_space<semaphore_mem>>)
      %dma_wait3A = arith.constant 0 : i32
      %dma_wait3A_44 = tpu.memref_slice %arg8[%dma_wait3A] : memref<2064xi32, #tpu.memory_space<vmem>> -> memref<2048xi32, #tpu.memory_space<vmem>>
      %dma_wait3A_45 = tpu.memref_slice %arg5[%mul3A_38] : memref<65536xi32, #tpu.memory_space<hbm>> -> memref<2048xi32, #tpu.memory_space<hbm>>
      %dma_wait3A_46 = tpu.memref_slice %arg5[%mul3A_38] : memref<65536xi32, #tpu.memory_space<hbm>> -> memref<2048xi32, #tpu.memory_space<hbm>>
      %dma_wait3A_47 = arith.constant 0 : i32
      %dma_wait3A_48 = tpu.memref_slice %arg8[%dma_wait3A_47] : memref<2064xi32, #tpu.memory_space<vmem>> -> memref<2048xi32, #tpu.memory_space<vmem>>
      tpu.wait_dma2 semaphore(%run_scoped3A : memref<!tpu.dma_semaphore, #tpu.memory_space<semaphore_mem>>) src(%dma_wait3A_48 : memref<2048xi32, #tpu.memory_space<vmem>>) dst(%dma_wait3A_46 : memref<2048xi32, #tpu.memory_space<hbm>>)
      tpu.yield
    }) : () -> ()
    return
  }
}

module attributes {stable_mosaic.version = 14 : i64} {
  func.func @_gate_body(%arg0: i32, %arg1: memref<512x4096xf32, #tpu.memory_space<vmem>>, %arg2: memref<4096x64xf32, #tpu.memory_space<vmem>>, %arg3: memref<1x64xf32, #tpu.memory_space<vmem>>, %arg4: memref<512x64xf32, #tpu.memory_space<vmem>>, %arg5: memref<1x64xf32, #tpu.memory_space<vmem>>, %arg6: memref<1x64xf32, #tpu.memory_space<vmem>>, %arg7: memref<1x64xf32, #tpu.memory_space<vmem>>, %arg8: memref<1x64xf32, #tpu.memory_space<vmem>>) attributes {dimension_semantics = [#tpu.dimension_semantics<arbitrary>], iteration_bounds = array<i64: 16>, scalar_prefetch = 0 : i64, scratch_operands = 2 : i64, tpu.core_type = #tpu.core_type<tc>, window_params = [{transform_indices = @transform_0, window_bounds = array<i64: 512, 4096>}, {pipeline_mode = #tpu.pipeline_mode<synchronous>, transform_indices = @transform_1, window_bounds = array<i64: 4096, 64>}, {pipeline_mode = #tpu.pipeline_mode<synchronous>, transform_indices = @transform_2, window_bounds = array<i64: 1, 64>}, {transform_indices = @transform_3, window_bounds = array<i64: 512, 64>}, {pipeline_mode = #tpu.pipeline_mode<synchronous>, transform_indices = @transform_4, window_bounds = array<i64: 1, 64>}, {pipeline_mode = #tpu.pipeline_mode<synchronous>, transform_indices = @transform_5, window_bounds = array<i64: 1, 64>}]} {
    %eq3A = arith.constant 0 : i32
    %eq3A_0 = arith.cmpi eq, %arg0, %eq3A : i32
    %convert_element_type3A = arith.extui %eq3A_0 : i1 to i32
    %cond3A = arith.constant 0 : i32
    %cond3A_1 = arith.cmpi ne, %convert_element_type3A, %cond3A : i32
    scf.if %cond3A_1 {
      %broadcast_in_dim3A_38 = arith.constant 0xFF800000 : f32
      %broadcast_in_dim3A_39 = vector.broadcast %broadcast_in_dim3A_38 : f32 to vector<1x64xf32>
      %swap3A_40 = arith.constant 0 : index
      %swap3A_41 = arith.constant 0 : index
      %swap3A_42 = vector.load %arg7[%swap3A_40, %swap3A_41] : memref<1x64xf32, #tpu.memory_space<vmem>>, vector<1x64xf32>
      tpu.vector_store %arg7[%swap3A_40, %swap3A_41], %broadcast_in_dim3A_39 {strides = array<i32>} : memref<1x64xf32, #tpu.memory_space<vmem>>, vector<1x64xf32>,
      %broadcast_in_dim3A_43 = arith.constant 0.000000e+00 : f32
      %broadcast_in_dim3A_44 = vector.broadcast %broadcast_in_dim3A_43 : f32 to vector<1x64xf32>
      %swap3A_45 = arith.constant 0 : index
      %swap3A_46 = arith.constant 0 : index
      %swap3A_47 = vector.load %arg8[%swap3A_45, %swap3A_46] : memref<1x64xf32, #tpu.memory_space<vmem>>, vector<1x64xf32>
      tpu.vector_store %arg8[%swap3A_45, %swap3A_46], %broadcast_in_dim3A_44 {strides = array<i32>} : memref<1x64xf32, #tpu.memory_space<vmem>>, vector<1x64xf32>,
    } else {
    }
    %get3A = arith.constant 0 : index
    %get3A_2 = arith.constant 0 : index
    %get3A_3 = vector.load %arg1[%get3A, %get3A_2] : memref<512x4096xf32, #tpu.memory_space<vmem>>, vector<512x4096xf32>
    %get3A_4 = arith.constant 0 : index
    %get3A_5 = arith.constant 0 : index
    %get3A_6 = vector.load %arg2[%get3A_4, %get3A_5] : memref<4096x64xf32, #tpu.memory_space<vmem>>, vector<4096x64xf32>
    %dot_general3A = arith.constant dense<0.000000e+00> : vector<512x64xf32>
    %dot_general3A_7 = tpu.matmul %get3A_3, %get3A_6, %dot_general3A {dimension_numbers = #tpu.dot_dimension_numbers<[1], [0], [0], [1], [0, 0, 1, 1], [], []>, transpose_lhs_hint = false} : vector<512x4096xf32>, vector<4096x64xf32>, vector<512x64xf32> -> vector<512x64xf32>
    %get3A_8 = arith.constant 0 : index
    %get3A_9 = arith.constant 0 : index
    %get3A_10 = vector.load %arg3[%get3A_8, %get3A_9] : memref<1x64xf32, #tpu.memory_space<vmem>>, vector<1x64xf32>
    %add3A = vector.broadcast %get3A_10 : vector<1x64xf32> to vector<512x64xf32>
    %add3A_11 = arith.addf %dot_general3A_7, %add3A : vector<512x64xf32>
    %swap3A = arith.constant 0 : index
    %swap3A_12 = arith.constant 0 : index
    %swap3A_13 = vector.load %arg4[%swap3A, %swap3A_12] : memref<512x64xf32, #tpu.memory_space<vmem>>, vector<512x64xf32>
    tpu.vector_store %arg4[%swap3A, %swap3A_12], %add3A_11 {strides = array<i32>} : memref<512x64xf32, #tpu.memory_space<vmem>>, vector<512x64xf32>,
    %get3A_14 = arith.constant 0 : index
    %get3A_15 = arith.constant 0 : index
    %get3A_16 = vector.load %arg7[%get3A_14, %get3A_15] : memref<1x64xf32, #tpu.memory_space<vmem>>, vector<1x64xf32>
    %reduce_max3A = arith.constant dense<0xFF800000> : vector<64xf32>
    %reduce_max3A_17 = vector.multi_reduction <maximumf>, %add3A_11, %reduce_max3A [0] : vector<512x64xf32> to vector<64xf32>
    %broadcast_in_dim3A = vector.shape_cast %reduce_max3A_17 : vector<64xf32> to vector<1x64xf32>
    %max3A = arith.maximumf %get3A_16, %broadcast_in_dim3A : vector<1x64xf32>
    %get3A_18 = arith.constant 0 : index
    %get3A_19 = arith.constant 0 : index
    %get3A_20 = vector.load %arg8[%get3A_18, %get3A_19] : memref<1x64xf32, #tpu.memory_space<vmem>>, vector<1x64xf32>
    %sub3A = arith.subf %get3A_16, %max3A : vector<1x64xf32>
    %exp3A = math.exp %sub3A : vector<1x64xf32>
    %mul3A = arith.mulf %get3A_20, %exp3A : vector<1x64xf32>
    %sub3A_21 = vector.broadcast %max3A : vector<1x64xf32> to vector<512x64xf32>
    %sub3A_22 = arith.subf %add3A_11, %sub3A_21 : vector<512x64xf32>
    %exp3A_23 = math.exp %sub3A_22 : vector<512x64xf32>
    %reduce_sum3A = arith.constant dense<0.000000e+00> : vector<64xf32>
    %reduce_sum3A_24 = vector.multi_reduction <add>, %exp3A_23, %reduce_sum3A [0] : vector<512x64xf32> to vector<64xf32>
    %broadcast_in_dim3A_25 = vector.shape_cast %reduce_sum3A_24 : vector<64xf32> to vector<1x64xf32>
    %add3A_26 = arith.addf %mul3A, %broadcast_in_dim3A_25 : vector<1x64xf32>
    %swap3A_27 = arith.constant 0 : index
    %swap3A_28 = arith.constant 0 : index
    %swap3A_29 = vector.load %arg8[%swap3A_27, %swap3A_28] : memref<1x64xf32, #tpu.memory_space<vmem>>, vector<1x64xf32>
    tpu.vector_store %arg8[%swap3A_27, %swap3A_28], %add3A_26 {strides = array<i32>} : memref<1x64xf32, #tpu.memory_space<vmem>>, vector<1x64xf32>,
    %swap3A_30 = arith.constant 0 : index
    %swap3A_31 = arith.constant 0 : index
    %swap3A_32 = vector.load %arg7[%swap3A_30, %swap3A_31] : memref<1x64xf32, #tpu.memory_space<vmem>>, vector<1x64xf32>
    tpu.vector_store %arg7[%swap3A_30, %swap3A_31], %max3A {strides = array<i32>} : memref<1x64xf32, #tpu.memory_space<vmem>>, vector<1x64xf32>,
    %eq3A_33 = arith.constant 15 : i32
    %eq3A_34 = arith.cmpi eq, %arg0, %eq3A_33 : i32
    %convert_element_type3A_35 = arith.extui %eq3A_34 : i1 to i32
    %cond3A_36 = arith.constant 0 : i32
    %cond3A_37 = arith.cmpi ne, %convert_element_type3A_35, %cond3A_36 : i32
    scf.if %cond3A_37 {
      %get3A_38 = arith.constant 0 : index
      %get3A_39 = arith.constant 0 : index
      %get3A_40 = vector.load %arg7[%get3A_38, %get3A_39] : memref<1x64xf32, #tpu.memory_space<vmem>>, vector<1x64xf32>
      %swap3A_41 = arith.constant 0 : index
      %swap3A_42 = arith.constant 0 : index
      %swap3A_43 = vector.load %arg5[%swap3A_41, %swap3A_42] : memref<1x64xf32, #tpu.memory_space<vmem>>, vector<1x64xf32>
      tpu.vector_store %arg5[%swap3A_41, %swap3A_42], %get3A_40 {strides = array<i32>} : memref<1x64xf32, #tpu.memory_space<vmem>>, vector<1x64xf32>,
      %get3A_44 = arith.constant 0 : index
      %get3A_45 = arith.constant 0 : index
      %get3A_46 = vector.load %arg8[%get3A_44, %get3A_45] : memref<1x64xf32, #tpu.memory_space<vmem>>, vector<1x64xf32>
      %swap3A_47 = arith.constant 0 : index
      %swap3A_48 = arith.constant 0 : index
      %swap3A_49 = vector.load %arg6[%swap3A_47, %swap3A_48] : memref<1x64xf32, #tpu.memory_space<vmem>>, vector<1x64xf32>
      tpu.vector_store %arg6[%swap3A_47, %swap3A_48], %get3A_46 {strides = array<i32>} : memref<1x64xf32, #tpu.memory_space<vmem>>, vector<1x64xf32>,
    } else {
    }
    return
  }
  func.func @transform_0(%arg0: i32) -> (i32, i32) {
    %c0_i32 = arith.constant 0 : i32
    %c0_i32_0 = arith.constant 0 : i32
    return %arg0, %c0_i32 : i32, i32
  }
  func.func @transform_1(%arg0: i32) -> (i32, i32) {
    %c0_i32 = arith.constant 0 : i32
    %c0_i32_0 = arith.constant 0 : i32
    %c0_i32_1 = arith.constant 0 : i32
    return %c0_i32, %c0_i32_0 : i32, i32
  }
  func.func @transform_2(%arg0: i32) -> (i32, i32) {
    %c0_i32 = arith.constant 0 : i32
    %c0_i32_0 = arith.constant 0 : i32
    %c0_i32_1 = arith.constant 0 : i32
    return %c0_i32, %c0_i32_0 : i32, i32
  }
  func.func @transform_3(%arg0: i32) -> (i32, i32) {
    %c0_i32 = arith.constant 0 : i32
    %c0_i32_0 = arith.constant 0 : i32
    return %arg0, %c0_i32 : i32, i32
  }
  func.func @transform_4(%arg0: i32) -> (i32, i32) {
    %c0_i32 = arith.constant 0 : i32
    %c0_i32_0 = arith.constant 0 : i32
    %c0_i32_1 = arith.constant 0 : i32
    return %c0_i32, %c0_i32_0 : i32, i32
  }
  func.func @transform_5(%arg0: i32) -> (i32, i32) {
    %c0_i32 = arith.constant 0 : i32
    %c0_i32_0 = arith.constant 0 : i32
    %c0_i32_1 = arith.constant 0 : i32
    return %c0_i32, %c0_i32_0 : i32, i32
  }
}

</mosaic_0001>

<sc_bundles>
// kernel: kernel.4.cloned.1.call-start
scs
__scs_entry_jumppad:
0x0: {  	(pc) =	sbr.rel $0x88, $3  }
0x1: {  	(tag) =	ssettag $0x0;
	lr =	simm.s32 $0x1  }
0x2: {  	[smem:$0x3F9E] =	sst lr;
	_ =	strace $0xD0000000  }
0x3: {  	_ = 	snop  }
0x4: {  	_ = 	snop  }
0x5: {  	_ = 	snop  }
0x6: {  	_ = 	snop  }
0x7: {  	_ = 	snop  }
__scs_overlays_trampoline_lowered:
0x8: {  	[smem:$0x3FAD] =	sst s0  }
0x9: {  	[smem:$0x3FAE] =	sst s1  }
0xa: {  	[smem:$0x3FAF] =	sst s2  }
0xb: {  	[smem:$0x3FB0] =	sst s3  }
0xc: {  	[smem:$0x3FB1] =	sst s4  }
0xd: {  	[smem:$0x3FB2] =	sst s5  }
0xe: {  	[smem:$0x3FB3] =	sst s6  }
0xf: {  	[smem:$0x3FB4] =	sst s7  }
0x10: {  	[smem:$0x3FB5] =	sst s8  }
0x11: {  	[smem:$0x3FB6] =	sst s9;
	s0 =	simm.s32 @!p0 $0x0  }
0x12: {  	s1 =	sld [smem:$0x3F9C];
	s0 =	simm.s32 @p0 $0x1  }
0x13: {  	[smem:$0x3FB7] =	sst s0;
	s0 =	simm.s32 @!p1 $0x0  }
0x14: {  	s2 =	sld [smem:$0x3F9B];
	s0 =	simm.s32 @p1 $0x1  }
0x15: {  	[smem:$0x3FB8] =	sst s0;
	s0 =	simm.s32 @!p2 $0x0  }
0x16: {  	s3 =	sld [smem:$0x3FDB];
	s0 =	simm.s32 @p2 $0x1  }
0x17: {  	s4 =	simm.s32 $0x1BF5;
	[smem:$0x3FBA] =	sst s0  }
0x18: {  	s0 =	sld [smem:$0x3F9D];
	_ =	swait.ge [sflag:s4], $0x0  }
0x19: {  	s7 =	sld [smem:$0x3F9E]  }
0x1a: {  	s8 =	sadd.s32 $0xFFFFE003, lr  }
0x1b: {  	s9 =	sadd.s32 $0xFFFFFEF7, lr;
	s5 =	simm.s32 $0xFFFFFFFF;
	p2 =	slt.u32 s8, $0xFFFFF086  }
0x1c: {  	p1 =	slt.u32 s9, $0xF7A;
	s5 =	simm.s32 @!p2 $0x0  }
0x1d: {  	s5 =	simm.s32 @p1 $0x1;
	p0 =	seq.s32 s7, s2  }
0x1e: {  	s7 =	smul.u32 @!p0 $0xF7A, s2;
	p2 =	seq.s32 @!p0 s5, $0x0  }
0x1f: {  	s9 =	smul.u32 $0xF7A, s1;
	s8 =	simm.s32 @!p0 $0x1BF5;
	p2 =	por !p2, p0  }
0x20: {  	[sflag:s8] =	ssyncset.s32 @!p0 $0xFFFFF086;
	s6 =	sadd.s32 @!p0 s3, s7;
	s7 =	simm.s32 @!p0 $0x108  }
0x21: {  	s3 =	sadd.s32 s3, s9;
	s6 =	sadd.s32 @!p0 $0x88, s6;
	s7 =	simm.s32 @p2 $0x1082  }
0x22: {  	[simem:s7], [sflag:s8] =	dma.local @!p0 [hbm:s6], $0xF7A  }
0x23: {  	s9 =	sor.u32 $0xD0000000, s2;
	s6 =	simm.s32 $0x108;
	_ =	swait.ge @!p0 [sflag:s8], $0x0  }
0x24: {  	s3 =	sadd.s32 $0x88, s3;
	s6 =	simm.s32 @!p1 $0x1082;
	[sflag:s4] =	ssyncset.s32 $0xFFFFF086  }
0x25: {  	[simem:s6], [sflag:s4] =	dma.local [hbm:s3], $0xF7A  }
0x26: {  	[smem:$0x3F9E] =	sst s1;
	(tag) =	ssettag s2;
	_ =	strace s9  }
0x27: {  	s1 =	sld [smem:$0x3FAE]  }
0x28: {  	s2 =	sld [smem:$0x3FAF]  }
0x29: {  	s4 =	sld [smem:$0x3FB1]  }
0x2a: {  	p0 =	seq.s32 s5, $0x0;
	s5 =	sld [smem:$0x3FB2]  }
0x2b: {  	s6 =	sld [smem:$0x3FB3]  }
0x2c: {  	s7 =	sld [smem:$0x3FB4]  }
0x2d: {  	s3 =	simm.s32 $0x108;
	s8 =	sld [smem:$0x3FB5]  }
0x2e: {  	s3 =	simm.s32 @!p0 $0x1082;
	s9 =	sld [smem:$0x3FB6]  }
0x2f: {  	lr =	sadd.s32 s0, s3;
	s0 =	sld [smem:$0x3FAD]  }
0x30: {  	s3 =	sld [smem:$0x3FB0]  }
0x31: {  	[smem:$0x3FB9] =	sst s10  }
0x32: {  	s10 =	sld [smem:$0x3FB7];
	_ =	sdelay $0x3  }
0x33: {  	p0 =	seq.s32 s10, $0x1;
	s10 =	sld [smem:$0x3FB9];
	_ =	sdelay $0x3  }
0x34: {  	[smem:$0x3FB9] =	sst s10  }
0x35: {  	s10 =	sld [smem:$0x3FB8];
	_ =	sdelay $0x3  }
0x36: {  	p1 =	seq.s32 s10, $0x1;
	s10 =	sld [smem:$0x3FB9];
	_ =	sdelay $0x3  }
0x37: {  	[smem:$0x3FB9] =	sst s10  }
0x38: {  	s10 =	sld [smem:$0x3FBA]  }
0x39: {  	_ = 	snop;
	(pc) =	sbr.ind lr, $3  }
0x3a: {  	_ = 	snop  }
0x3b: {  	_ = 	snop  }
0x3c: {  	p2 =	seq.s32 s10, $0x1;
	s10 =	sld [smem:$0x3FB9]  }
0x3d: {  	_ =	shalt  }
0x3e: {  	_ =	shalt  }
0x3f: {  	_ =	shalt  }
0x40: {  	_ =	shalt  }
0x41: {  	_ =	shalt  }
0x42: {  	_ =	shalt  }
0x43: {  	_ =	shalt  }
0x44: {  	_ =	shalt  }
0x45: {  	_ =	shalt  }
0x46: {  	_ =	shalt  }
0x47: {  	_ =	shalt  }
0x48: {  	_ =	shalt  }
0x49: {  	_ =	shalt  }
0x4a: {  	_ =	shalt  }
0x4b: {  	_ =	shalt  }
0x4c: {  	_ =	shalt  }
0x4d: {  	_ =	shalt  }
0x4e: {  	_ =	shalt  }
0x4f: {  	_ =	shalt  }
0x50: {  	_ =	shalt  }
0x51: {  	_ =	shalt  }
0x52: {  	_ =	shalt  }
0x53: {  	_ =	shalt  }
0x54: {  	_ =	shalt  }
0x55: {  	_ =	shalt  }
0x56: {  	_ =	shalt  }
0x57: {  	_ =	shalt  }
0x58: {  	_ =	shalt  }
0x59: {  	_ =	shalt  }
0x5a: {  	_ =	shalt  }
0x5b: {  	_ =	shalt  }
0x5c: {  	_ =	shalt  }
0x5d: {  	_ =	shalt  }
0x5e: {  	_ =	shalt  }
0x5f: {  	_ =	shalt  }
0x60: {  	_ =	shalt  }
0x61: {  	_ =	shalt  }
0x62: {  	_ =	shalt  }
0x63: {  	_ =	shalt  }
0x64: {  	_ =	shalt  }
0x65: {  	_ =	shalt  }
0x66: {  	_ =	shalt  }
0x67: {  	_ =	shalt  }
0x68: {  	_ =	shalt  }
0x69: {  	_ =	shalt  }
0x6a: {  	_ =	shalt  }
0x6b: {  	_ =	shalt  }
0x6c: {  	_ =	shalt  }
0x6d: {  	_ =	shalt  }
0x6e: {  	_ =	shalt  }
0x6f: {  	_ =	shalt  }
0x70: {  	_ =	shalt  }
0x71: {  	_ =	shalt  }
0x72: {  	_ =	shalt  }
0x73: {  	_ =	shalt  }
0x74: {  	_ =	shalt  }
0x75: {  	_ =	shalt  }
0x76: {  	_ =	shalt  }
0x77: {  	_ =	shalt  }
0x78: {  	_ =	shalt  }
0x79: {  	_ =	shalt  }
0x7a: {  	_ =	shalt  }
0x7b: {  	_ =	shalt  }
0x7c: {  	_ =	shalt  }
0x7d: {  	_ =	shalt  }
0x7e: {  	_ =	shalt  }
0x7f: {  	_ =	shalt  }
0x80: {  	_ =	shalt  }
0x81: {  	_ =	shalt  }
0x82: {  	_ =	shalt  }
0x83: {  	_ =	shalt  }
0x84: {  	_ =	shalt  }
0x85: {  	_ =	shalt  }
0x86: {  	_ =	shalt  }
0x87: {  	_ =	shalt  }
.Lfunc_end0:
.L_simem_size_0:
called_computation_lowered:
.L_overlay_start_0:
0x88: {  	s2 =	sld [smem:$0x3FD9]  }
0x89: {  	s3 =	sld [smem:$0x3FFE];
	_ =	sdelay $0x1  }
0x8a: {  	s1 =	srdreg.scid  }
0x8b: {  	s0 =	sand.u32 $0x1, s1  }
0x8c: {  	s17 =	sshll.u32 s0, $0xA;
	s2 =	sadd.s32 s3, s2  }
0x8d: {  	s2 =	sadd.s32 s2, s17  }
0x8e: {  	[smem:$0x3FC5] =	sst s2  }
0x8f: {  	_ = 	snop  }
0x90: {  	s2 =	sld [smem:$0x3FD0];
	(tm) =	ssettm $0x1  }
0x91: {  	s18 =	sld [smem:$0x3FFB];
	_ =	sdelay $0x3  }
0x92: {  	_ =	strace s18  }
0x93: {  	s3 =	sld [smem:$0x3FFC];
	_ =	sdelay $0x3  }
0x94: {  	_ =	strace s3  }
0x95: {  	s3 =	sld [smem:$0x3FFD];
	_ =	sdelay $0x3  }
0x96: {  	_ =	strace s3  }
0x97: {  	_ =	strace $0x8FFFFFFF  }
0x98: {  	s19 =	sld [smem:$0x3FDB];
	_ =	sdelay $0x1  }
0x99: {  	s4 =	simm.s32 $_scs_section_size  }
0x9a: {  	s5 =	simm.s32 $_size__tile_overlayer_lowered;
	s6 =	simm.s32 $_tile_overlayer_lowered  }
0x9b: {  	s22 =	simm.s32 $0x1BFF;
	s21 =	sshll.u32 s6, $0x1;
	s3 =	sadd.s32 s4, s19  }
0x9c: {  	s7 =	simm.s32 $0x0;
	s20 =	sshll.u32 s5, $0x1;
	s5 =	sadd.s32 s21, s3  }
0x9d: {  	[timem:s7], [sflag:s22] =	dma.local [hbm:s5], s20  }
0x9e: {  	_ =	swait.ge [sflag:s22], s20  }
0x9f: {  	s4 =	ssub.s32 $0x0, s20;
	[sflag:s22] =	ssyncset.done $0x0  }
0xa0: {  	[sflag:s22] =	ssyncadd.s32 s4;
	_ =	sdelay $0x1  }
0xa1: {  	s23 =	simm.s32 $0x1B8B  }
0xa2: {  	_ =	swait.ge [sflag:s23], $0x1  }
0xa3: {  	[sflag:s23] =	ssyncset.done $0x0  }
0xa4: {  	s25 =	simm.s32 $0x1B8E;
	s24 =	sld [smem:$0x3FFE];
	[sflag:s23] =	ssyncadd.s32 $0xFFFFFFFF  }
0xa5: {  	s26 =	simm.s32 $execute0_lowered;
	[smem:$0x3FD2] =	sst s25  }
0xa6: {  	s5 =	sshll.u32 s26, $0x1;
	_ =	strace $0x80000046;
	[dreg:$0x1] =	wrdreg $0xFFFFFFFF  }
0xa7: {  	s28 =	simm.s32 $_size_execute0_lowered;
	s3 =	sadd.s32 s3, s5;
	[dreg:$0x0] =	wrdreg $0x0  }
0xa8: {  	s5 =	sshll.u32 s28, $0x1;
	[dreg:$0x2] =	wrdreg s3  }
0xa9: {  	[dreg:$0x3] =	wrdreg s5  }
0xaa: {  	[dreg:$0x4] =	wrdreg $0xC0  }
0xab: {  	_ =	task [dreg:s7], $0x5FFFF  }
0xac: {  	[dreg:$0x1] =	wrdreg $0xFFFFFFFF  }
0xad: {  	[dreg:$0x0] =	wrdreg $0x60  }
0xae: {  	[dreg:$0x2] =	wrdreg s24  }
0xaf: {  	[dreg:$0x3] =	wrdreg s2  }
0xb0: {  	[dreg:$0x4] =	wrdreg $0x9  }
0xb1: {  	_ =	task.clear_ibuf [dreg:s7], $0x5FFFF;
	_ =	strace $0x90000046  }
0xb2: {  	s29 =	simm.s32 $0x9;
	_ =	strace $0x80000048  }
0xb3: {  	_ =	swait.ge [sflag:s29], $0x1  }
0xb4: {  	[sflag:s29] =	ssyncadd.s32 $0xFFFFFFFF  }
0xb5: {  	_ =	strace $0x90000048  }
0xb6: {  	_ =	sfence  }
0xb7: {  	s30 =	sld [smem:$0x0];
	_ =	sdelay $0x2  }
0xb8: {  	s31 =	sshll.u32 s1, $0xD;
	s1 =	sshrl.u32 s1, $0x2  }
0xb9: {  	s3 =	sand.u32 $0x4000, s31;
	s1 =	sadd.s32 s1, s30  }
0xba: {  	s0 =	sor.u32 s3, s0;
	s1 =	sshll.u32 s1, $0x11  }
0xbb: {  	s0 =	sor.u32 s1, s0  }
0xbc: {  	s0 =	sadd.s32 $0x8F2B, s0  }
0xbd: {  	[sflag:s0] =	ssyncadd.remote.s32 $0x1  }
0xbe: {  	_ =	sfence.sel $0xFFFF  }
0xbf: {  	[dreg:$0x0] =	wrdreg $0xFFFFFFFF;
	(pc) =	sbr.abs _section_cstart, $3  }
0xc0: {  	[dreg:$0x1] =	wrdreg $0xFFFFFFFF  }
0xc1: {  	_ =	task.clear_ibuf [dreg:s7], $0x2FFFF;
	_ =	strace $0x9FFFFFFF  }
0xc2: {  	(tm) =	ssettm $0x7FFFFFFF  }
0xc3: {  	_ =	shalt  }
tec
execute0_lowered:
.L_overlay_start_1:
0x0: {  	(tag) =	ssettag $0x1  }
0x1: {  	s4 =	rddreg [dreg:$0x0]  }
0x2: {  	s6 =	rddreg [dreg:$0x1]  }
0x3: {  	s0 =	rddreg [dreg:$0x2]  }
0x4: {  	s3 =	srdreg.scid;
	s1 =	stileid.u32;
	s2 =	simm.s32 $0x0  }
0x5: {  	s10 =	simm.s32 $0x4040;
	s11 =	simm.s32 $0x4080;
	s12 =	simm.s32 $0x0  }
0x6: {  	s5 =	sand.u32 $0x1, s3;
	s31 =	sshll.u32 s1, $0x1;
	[smem:$0x7FF] =	sst s2  }
0x7: {  	s7 =	sor.u32 s5, s31;
	_ =	strace $0x80000047;
	s5 =	ssub.s32 $0x2, s5  }
0x8: {  	v0 =	vlaneseq.u32;
	s3 =	sshll.u32 s7, $0xB;
	s9 =	sshrl.u32 s5, $0x1;
	s7 =	sshll.u32 s7, $0x8  }
0x9: {  	v4 =	vmul.u32 $0xFFFFFFFF, v0;
	s8 =	sadd.s32 s3, s4;
	s3 =	sadd.s32 $0xC00, s4;
	s4 =	sadd.s32 $0xE00, s4  }
0xa: {  	v1 =	vor.u32 $0x10, v0;
	s9 =	ssub.s32 s5, s9;
	s6 =	sadd.s32 s6, s7;
	s5 =	sadd.s32 $0x1000, s8  }
0xb: {  	v2 =	vor.u32 $0x20, v0;
	v3 =	vor.u32 $0x30, v0;
	v4 =	vadd.s32 $0xF, v4;
	s7 =	smax.u32 s9, $0x1;
	s8 =	simm.s32 $0x4000;
	s9 =	simm.s32 $0x1  }
.LBB2_1:
0xc: {  	[tilespmem:s8], [sflag:$0x1] =	stream.linear.gather [hbm4b:s3+s2], $0x40, $0x38;
	[tilespmem:$0x4900] =	vst v63  }
0xd: {  	_ =	swait.ge [sflag:s9], $0x40  }
0xe: {  	[sflag:s9] =	ssyncset.done $0x0  }
0xf: {  	[sflag:s9] =	ssyncadd.s32 $0xFFFFFFC0  }
0x10: {  	[tilespmem:s10], [sflag:$0x1] =	stream.linear.gather [hbm4b:s4+s2], $0x40, $0x38;
	[tilespmem:$0x4900] =	vst v63  }
0x11: {  	_ =	swait.ge [sflag:s9], $0x40  }
0x12: {  	[sflag:s9] =	ssyncset.done $0x0  }
0x13: {  	[sflag:s9] =	ssyncadd.s32 $0xFFFFFFC0  }
0x14: {  	[tilespmem:s2], [sflag:$0x1] =	stream.linear.gather [hbm4b:s5+s2], $0x4000, $0x38;
	[tilespmem:$0x4900] =	vst v63  }
0x15: {  	_ =	swait.ge [sflag:s9], $0x4000  }
0x16: {  	[sflag:s9] =	ssyncset.done $0x0  }
0x17: {  	[sflag:s9] =	ssyncadd.s32 $0xFFFFC000  }
0x18: {  	v5 =	vld [tilespmem:$0x4000]  }
0x19: {  	v6 =	vld [tilespmem:$0x4010]  }
0x1a: {  	v7 =	vld [tilespmem:$0x4020]  }
0x1b: {  	v8 =	vld [tilespmem:$0x4030]  }
0x1c: {  	v9 =	vld [tilespmem:$0x4040]  }
0x1d: {  	v10 =	vld [tilespmem:$0x4050]  }
0x1e: {  	s13 =	simm.s32 $0x20;
	v11 =	vld [tilespmem:$0x4060]  }
0x1f: {  	v12 =	vld [tilespmem:s13+$0x10]  }
0x20: {  	v13 =	vld [tilespmem:s13+$0x0]  }
0x21: {  	v14 =	vld [tilespmem:s13+$0xFFFFFFF0]  }
0x22: {  	v15 =	vld [tilespmem:$0x4070]  }
0x23: {  	v16 =	vld [tilespmem:s13+$0xFFFFFFE0];
	_ =	sdelay $0x1  }
0x24: {  	(erf) = vrcp.f32 v9;
	v9 =	vsub.f32 v12, v8  }
0x25: {  	(erf) = vrcp.f32 v10  }
0x26: {  	v10 =	vsub.f32 v13, v7;
	(erf) = vrcp.f32 v11;
	v9 =	vmul.f32 $1.442695020e+00, v9  }
0x27: {  	v12 =	vsub.f32 v16, v5;
	v11 =	vsub.f32 v14, v6;
	(erf) = vrcp.f32 v15  }
0x28: {  	v10 =	vmul.f32 $1.442695020e+00, v10;
	(erf) = vpow2.f32 v9  }
0x29: {  	v11 =	vmul.f32 $1.442695020e+00, v11;
	v9 =	vmul.f32 $1.442695020e+00, v12  }
0x2a: {  	(erf) = vpow2.f32 v10  }
0x2b: {  	(erf) = vpow2.f32 v11;
	_ =	sdelay $0x1  }
0x2c: {  	(erf) = vpow2.f32 v9;
	v9 =	vpop (erf)  }
0x2d: {  	v10 =	vpop (erf)  }
0x2e: {  	v11 =	vpop (erf)  }
0x2f: {  	v12 =	vpop (erf)  }
0x30: {  	v13 =	vpop (erf)  }
0x31: {  	v13 =	vmul.f32 v13, v12  }
0x32: {  	v14 =	vpop (erf)  }
0x33: {  	v14 =	vmul.f32 v14, v11;
	v15 =	vpop (erf)  }
0x34: {  	v15 =	vmul.f32 v15, v10;
	(xrf1) =	vsort.dscd.msk.f32 $0xffff, v13, v3  }
0x35: {  	(xrf1) =	vsort.dscd.msk.f32 $0xffff, v14, v2;
	v13 =	vpop (erf)  }
0x36: {  	(xrf1) =	vsort.dscd.msk.f32 $0xffff, v15, v1;
	v13 =	vmul.f32 v13, v9;
	_ =	sdelay $0x1  }
0x37: {  	(xrf1) =	vsort.dscd.msk.f32 $0xffff, v13, v0;
	_ =	sdelay $0x9  }
0x38: {  	v13, v14, _ =	vpop (xrf1)  }
0x39: {  	v13 =	vperm.xlane v13, v4;
	v15, v55, _ =	vpop (xrf1)  }
0x3a: {  	v14 =	vperm.xlane v14, v4;
	v17, v18, _ =	vpop (xrf1)  }
0x3b: {  	v17 =	vperm.xlane v17, v4;
	vm0 =	vge.f32 v15, v13  }
0x3c: {  	v18 =	vperm.xlane v18, v4;
	v13 =	vsel vm0, v15, v13;
	v14 =	vsel vm0, v55, v14;
	v15, v56, _ =	vpop (xrf1)  }
0x3d: {  	(xrf1) =	vsort.dscd.msk.f32 $0xffff, v13, v14;
	vm11 =	vge.f32 v15, v17  }
0x3e: {  	v13 =	vsel vm11, v15, v17;
	v14 =	vsel vm11, v56, v18  }
0x3f: {  	(xrf1) =	vsort.dscd.msk.f32 $0xffff, v13, v14;
	_ =	sdelay $0xb  }
0x40: {  	v13, v14, _ =	vpop (xrf1)  }
0x41: {  	v13 =	vperm.xlane v13, v4  }
0x42: {  	v14 =	vperm.xlane v14, v4;
	v15, v57, _ =	vpop (xrf1)  }
0x43: {  	vm12 =	vge.f32 v15, v13  }
0x44: {  	v13 =	vsel vm12, v15, v13;
	v14 =	vsel vm12, v57, v14  }
0x45: {  	(xrf1) =	vsort.dscd.msk.f32 $0xffff, v13, v14;
	_ =	sdelay $0xd  }
0x46: {  	s15 =	simm.s32 $0x40;
	s14 =	simm.s32 $0x4088;
	_, v13, _ =	vpop (xrf1)  }
0x47: {  	s16 =	sor.u32 $0x70, s15;
	[tilespmem:s14+$0xFFFFFFF8] =	vst v13  }
0x48: {  	v13 =	vld [tilespmem:s16+$0x0]  }
0x49: {  	s17 =	sor.u32 $0x60, s15  }
0x4a: {  	s15 =	sor.u32 $0x50, s15;
	v14 =	vld [tilespmem:s17+$0x0]  }
0x4b: {  	v15 =	vld [tilespmem:s15+$0x0];
	_ =	sdelay $0x1  }
0x4c: {  	v58 =	vld [tilespmem:s13+$0x20];
	v13 =	vsub.f32 v13, v8;
	_ =	sdelay $0x1  }
0x4d: {  	v14 =	vsub.f32 v14, v7;
	v13 =	vmul.f32 $1.442695020e+00, v13  }
0x4e: {  	v15 =	vsub.f32 v15, v6  }
0x4f: {  	v14 =	vmul.f32 $1.442695020e+00, v14;
	(erf) = vpow2.f32 v13  }
0x50: {  	v16 =	vsub.f32 v58, v5;
	v15 =	vmul.f32 $1.442695020e+00, v15  }
0x51: {  	(erf) = vpow2.f32 v14  }
0x52: {  	v13 =	vmul.f32 $1.442695020e+00, v16;
	(erf) = vpow2.f32 v15;
	_ =	sdelay $0x1  }
0x53: {  	(erf) = vpow2.f32 v13;
	_ =	sdelay $0x3  }
0x54: {  	v13 =	vpop (erf)  }
0x55: {  	v13 =	vmul.f32 v13, v12  }
0x56: {  	v14 =	vpop (erf)  }
0x57: {  	v14 =	vmul.f32 v14, v11;
	v15 =	vpop (erf)  }
0x58: {  	v15 =	vmul.f32 v15, v10;
	(xrf1) =	vsort.dscd.msk.f32 $0xffff, v13, v3  }
0x59: {  	(xrf1) =	vsort.dscd.msk.f32 $0xffff, v14, v2;
	v13 =	vpop (erf)  }
0x5a: {  	(xrf1) =	vsort.dscd.msk.f32 $0xffff, v15, v1;
	v13 =	vmul.f32 v13, v9;
	_ =	sdelay $0x1  }
0x5b: {  	(xrf1) =	vsort.dscd.msk.f32 $0xffff, v13, v0;
	_ =	sdelay $0x9  }
0x5c: {  	v13, v14, _ =	vpop (xrf1)  }
0x5d: {  	v13 =	vperm.xlane v13, v4;
	v15, v59, _ =	vpop (xrf1)  }
0x5e: {  	v14 =	vperm.xlane v14, v4;
	v60, v61, _ =	vpop (xrf1)  }
0x5f: {  	v17 =	vperm.xlane v60, v4;
	vm13 =	vge.f32 v15, v13  }
0x60: {  	v18 =	vperm.xlane v61, v4;
	v13 =	vsel vm13, v15, v13;
	v14 =	vsel vm13, v59, v14;
	v15, v62, _ =	vpop (xrf1)  }
0x61: {  	(xrf1) =	vsort.dscd.msk.f32 $0xffff, v13, v14;
	vm14 =	vge.f32 v15, v17  }
0x62: {  	v13 =	vsel vm14, v15, v17;
	v14 =	vsel vm14, v62, v18  }
0x63: {  	(xrf1) =	vsort.dscd.msk.f32 $0xffff, v13, v14;
	_ =	sdelay $0xb  }
0x64: {  	v13, v14, _ =	vpop (xrf1)  }
0x65: {  	v13 =	vperm.xlane v13, v4  }
0x66: {  	v14 =	vperm.xlane v14, v4;
	v15, v63, _ =	vpop (xrf1)  }
0x67: {  	vm15 =	vge.f32 v15, v13  }
0x68: {  	v13 =	vsel vm15, v15, v13;
	v14 =	vsel vm15, v63, v14  }
0x69: {  	(xrf1) =	vsort.dscd.msk.f32 $0xffff, v13, v14;
	_ =	sdelay $0xd  }
0x6a: {  	s15 =	simm.s32 $0xC0;
	_, v13, _ =	vpop (xrf1)  }
.LBB2_2:
0x6b: {  	p0 =	sne.s32 s15, $0x3FC0;
	[tilespmem:s14+$0x0] =	vst v13;
	s14 =	sadd.s32 $0x10, s14;
	s13 =	sadd.s32 $0x80, s13  }
0x6c: {  	s16 =	smov.u32 s15;
	s15 =	sadd.s32 $0x80, s15;
	v13 =	vld [tilespmem:s13+$0x10]  }
0x6d: {  	v14 =	vld [tilespmem:s13+$0x0]  }
0x6e: {  	v15 =	vld [tilespmem:s13+$0xFFFFFFF0];
	_ =	sdelay $0x1  }
0x6f: {  	v16 =	vld [tilespmem:s13+$0xFFFFFFE0]  }
0x70: {  	v13 =	vsub.f32 v13, v8  }
0x71: {  	v14 =	vsub.f32 v14, v7  }
0x72: {  	v15 =	vsub.f32 v15, v6;
	v13 =	vmul.f32 $1.442695020e+00, v13  }
0x73: {  	v14 =	vmul.f32 $1.442695020e+00, v14  }
0x74: {  	v16 =	vsub.f32 v16, v5;
	v15 =	vmul.f32 $1.442695020e+00, v15;
	(erf) = vpow2.f32 v13  }
0x75: {  	(erf) = vpow2.f32 v14  }
0x76: {  	v13 =	vmul.f32 $1.442695020e+00, v16;
	(erf) = vpow2.f32 v15;
	_ =	sdelay $0x1  }
0x77: {  	(erf) = vpow2.f32 v13;
	_ =	sdelay $0x4  }
0x78: {  	v13 =	vpop (erf)  }
0x79: {  	v16 =	vmul.f32 v13, v12;
	v14 =	vpop (erf)  }
0x7a: {  	v14 =	vmul.f32 v14, v11;
	v15 =	vpop (erf)  }
0x7b: {  	v15 =	vmul.f32 v15, v10;
	(xrf1) =	vsort.dscd.msk.f32 $0xffff, v16, v3  }
0x7c: {  	v13 =	vpop (erf);
	(xrf1) =	vsort.dscd.msk.f32 $0xffff, v14, v2  }
0x7d: {  	v13 =	vmul.f32 v13, v9;
	(xrf1) =	vsort.dscd.msk.f32 $0xffff, v15, v1;
	_ =	sdelay $0x1  }
0x7e: {  	(xrf1) =	vsort.dscd.msk.f32 $0xffff, v13, v0;
	_ =	sdelay $0x9  }
0x7f: {  	v13, v14, _ =	vpop (xrf1)  }
0x80: {  	v13 =	vperm.xlane v13, v4;
	v15, v16, _ =	vpop (xrf1)  }
0x81: {  	v14 =	vperm.xlane v14, v4;
	v17, v18, _ =	vpop (xrf1)  }
0x82: {  	v17 =	vperm.xlane v17, v4;
	v18 =	vperm.xlane v18, v4;
	vm0 =	vge.f32 v15, v13  }
0x83: {  	v13 =	vsel vm0, v15, v13;
	v14 =	vsel vm0, v16, v14;
	v15, v16, _ =	vpop (xrf1)  }
0x84: {  	vm0 =	vge.f32 v15, v17;
	(xrf1) =	vsort.dscd.msk.f32 $0xffff, v13, v14  }
0x85: {  	v13 =	vsel vm0, v15, v17;
	v14 =	vsel vm0, v16, v18  }
0x86: {  	(xrf1) =	vsort.dscd.msk.f32 $0xffff, v13, v14;
	_ =	sdelay $0xb  }
0x87: {  	v13, v14, _ =	vpop (xrf1)  }
0x88: {  	v13 =	vperm.xlane v13, v4  }
0x89: {  	v14 =	vperm.xlane v14, v4;
	v15, v16, _ =	vpop (xrf1)  }
0x8a: {  	vm0 =	vge.f32 v15, v13  }
0x8b: {  	v13 =	vsel vm0, v15, v13;
	v14 =	vsel vm0, v16, v14  }
0x8c: {  	(xrf1) =	vsort.dscd.msk.f32 $0xffff, v13, v14;
	_ =	sdelay $0xd  }
0x8d: {  	_, v13, _ =	vpop (xrf1)  }
0x8e: {  	s17 =	sor.u32 $0x70, s16;
	[tilespmem:s14+$0xFFFFFFF8] =	vst v13  }
0x8f: {  	s18 =	sor.u32 $0x60, s16;
	v13 =	vld [tilespmem:s17+$0x0]  }
0x90: {  	s16 =	sor.u32 $0x50, s16;
	v14 =	vld [tilespmem:s18+$0x0]  }
0x91: {  	v15 =	vld [tilespmem:s16+$0x0];
	_ =	sdelay $0x1  }
0x92: {  	v16 =	vld [tilespmem:s13+$0x20]  }
0x93: {  	v13 =	vsub.f32 v13, v8  }
0x94: {  	v14 =	vsub.f32 v14, v7  }
0x95: {  	v15 =	vsub.f32 v15, v6;
	v13 =	vmul.f32 $1.442695020e+00, v13  }
0x96: {  	v14 =	vmul.f32 $1.442695020e+00, v14  }
0x97: {  	v16 =	vsub.f32 v16, v5;
	v15 =	vmul.f32 $1.442695020e+00, v15;
	(erf) = vpow2.f32 v13  }
0x98: {  	(erf) = vpow2.f32 v14  }
0x99: {  	v13 =	vmul.f32 $1.442695020e+00, v16;
	(erf) = vpow2.f32 v15;
	_ =	sdelay $0x1  }
0x9a: {  	(erf) = vpow2.f32 v13;
	_ =	sdelay $0x4  }
0x9b: {  	v13 =	vpop (erf)  }
0x9c: {  	v16 =	vmul.f32 v13, v12;
	v14 =	vpop (erf)  }
0x9d: {  	v14 =	vmul.f32 v14, v11;
	v15 =	vpop (erf)  }
0x9e: {  	v15 =	vmul.f32 v15, v10;
	(xrf1) =	vsort.dscd.msk.f32 $0xffff, v16, v3  }
0x9f: {  	v13 =	vpop (erf);
	(xrf1) =	vsort.dscd.msk.f32 $0xffff, v14, v2  }
0xa0: {  	v13 =	vmul.f32 v13, v9;
	(xrf1) =	vsort.dscd.msk.f32 $0xffff, v15, v1;
	_ =	sdelay $0x1  }
0xa1: {  	(xrf1) =	vsort.dscd.msk.f32 $0xffff, v13, v0;
	_ =	sdelay $0x9  }
0xa2: {  	v13, v14, _ =	vpop (xrf1)  }
0xa3: {  	v13 =	vperm.xlane v13, v4;
	v15, v16, _ =	vpop (xrf1)  }
0xa4: {  	v14 =	vperm.xlane v14, v4;
	v17, v18, _ =	vpop (xrf1)  }
0xa5: {  	v17 =	vperm.xlane v17, v4;
	v18 =	vperm.xlane v18, v4;
	vm0 =	vge.f32 v15, v13  }
0xa6: {  	v13 =	vsel vm0, v15, v13;
	v14 =	vsel vm0, v16, v14;
	v15, v16, _ =	vpop (xrf1)  }
0xa7: {  	vm0 =	vge.f32 v15, v17;
	(xrf1) =	vsort.dscd.msk.f32 $0xffff, v13, v14  }
0xa8: {  	v13 =	vsel vm0, v15, v17;
	v14 =	vsel vm0, v16, v18  }
0xa9: {  	(xrf1) =	vsort.dscd.msk.f32 $0xffff, v13, v14;
	_ =	sdelay $0xb  }
0xaa: {  	v13, v14, _ =	vpop (xrf1)  }
0xab: {  	v13 =	vperm.xlane v13, v4  }
0xac: {  	v14 =	vperm.xlane v14, v4;
	v15, v16, _ =	vpop (xrf1)  }
0xad: {  	vm0 =	vge.f32 v15, v13  }
0xae: {  	v13 =	vsel vm0, v15, v13;
	v14 =	vsel vm0, v16, v14  }
0xaf: {  	(xrf1) =	vsort.dscd.msk.f32 $0xffff, v13, v14;
	_ =	sdelay $0x9  }
.Ltmp0:
0xb0: {  	(pc) =	sbr.rel @p0 .LBB2_2-.Ltmp0, $2  }
0xb1: {  	_ =	sdelay $0x2  }
0xb2: {  	_, v13, _ =	vpop (xrf1)  }
0xb3: {  	s12 =	sadd.s32 $0x1, s12  }
0xb4: {  	p0 =	sne.s32 s12, s7  }
.Ltmp1:
0xb5: {  	[tilespmem:s14+$0x0] =	vst v13;
	(pc) =	sbr.rel @p0 .LBB2_1-.Ltmp1, $4  }
0xb6: {  	[hbm4b:s6+s2] =	stream.linear.scatter [tilespmem:s11], [sflag:$0x1], $0x800, $0x38;
	[tilespmem:$0x4900] =	vst v63  }
0xb7: {  	_ =	swait.ge [sflag:s9], $0x800  }
0xb8: {  	[sflag:s9] =	ssyncset.done $0x0  }
0xb9: {  	[sflag:s9] =	ssyncadd.s32 $0xFFFFF800  }
0xba: {  	_ =	sfence.sel $0x180000  }
0xbb: {  	[bflag:$0x0] =	sbarrier.arrive $0xFFFF  }
0xbc: {  	p0 =	sne.s32 s1, $0x0;
	_ =	strace $0x90000047  }
0xbd: {  	s0 =	sadd.s32 @!p0 $0x100000, s0;
	[bflag:$0x2] =	sbarrier.arrive $0xFFFF  }
0xbe: {  	[sflag:s0] =	ssyncadd.tile.s32 @!p0 $0x1;
	_ =	shalt  }
.Lfunc_end2:
_tile_overlayer_lowered:
.L_overlay_start_2:
0xbf: {  	(tag) =	ssettag $0x2  }
0xc0: {  	s0 =	rddreg [dreg:$0x0];
	s2 =	stileid.u32  }
0xc1: {  	s1 =	rddreg [dreg:$0x1];
	p0 =	sne.s32 s2, $0x0  }
0xc2: {  	s3 =	rddreg [dreg:$0x2];
	[bflag:$0x3] =	sbarrier.arrive $0xFFFF;
	s2 =	simm.s32 @!p0 $0x1C01  }
0xc3: {  	[timem:s3], [sflag:s2] =	dma.local @!p0 [hbm:s0], s1  }
0xc4: {  	s0 =	simm.s32 @!p0 $0x1  }
0xc5: {  	_ =	swait.ge @!p0 [sflag:s0], s1  }
0xc6: {  	s1 =	ssub.s32 @!p0 $0x0, s1;
	[sflag:s0] =	ssyncset.done @!p0 $0x0  }
0xc7: {  	[sflag:s0] =	ssyncadd.s32 @!p0 s1  }
0xc8: {  	[bflag:$0x3] =	sbarrier.arrive $0xFFFF  }
0xc9: {  	_ =	shalt  }

</sc_bundles>
